<compile_context>
chip_gen: v7x
topology: tpu7x:2x2x1
jax: 0.10.2.dev20260603
libtpu: 0.0.44.dev20260713+nightly
codegen_flags: <defaults>
</compile_context>

<pallas_src>
import functools

import jax
import jax.numpy as jnp
from jax import lax
from jax.experimental import pallas as pl
from jax.experimental.pallas import tpu as pltpu
from jax.experimental.pallas import tpu_sc as plsc

NB = 1024
NB2 = 2 * NB
L = 16
NC = 2
NS = 16
NW = NC * NS
NUM_C = 21
PIX = 512 * 512
CHUNK = PIX // NW
NBATCH = 4


def _stage1_body(p_hbm, lab_hbm, out_hbm, lab_v, p_v, hist_v, in_sem):
    cid = lax.axis_index("c")
    sid = lax.axis_index("s")
    wid = sid * NC + cid
    base = wid * CHUNK

    pltpu.sync_copy(lab_hbm.at[pl.ds(0, NBATCH), pl.ds(base, CHUNK)], lab_v)

    ones = jnp.ones((L,), jnp.float32)
    zvec = jnp.zeros((L,), jnp.float32)
    nbf = jnp.float32(NB)
    nbm1 = jnp.full((L,), NB - 1, jnp.int32)
    mirr = jnp.full((L,), NB2 - 1, jnp.int32)

    def start_fetch(c, par):
        pltpu.make_async_copy(
            p_hbm.at[pl.ds(0, NBATCH), c, pl.ds(base, CHUNK)],
            p_v.at[par], in_sem).start()

    def wait_fetch(par):
        pltpu.make_async_copy(
            p_hbm.at[pl.ds(0, NBATCH), 0, pl.ds(base, CHUNK)],
            p_v.at[par], in_sem).wait()

    start_fetch(0, 0)

    def class_body(c, carry):
        par = lax.rem(c, 2)
        def zero_chunk(k, _):
            hist_v[pl.ds(k * L, L)] = zvec
            return 0
        lax.fori_loop(0, NB2 // L, zero_chunk, 0)

        wait_fetch(par)

        @pl.when(c + 1 < NUM_C)
        def _prefetch():
            start_fetch(c + 1, 1 - par)

        @plsc.parallel_loop(0, NBATCH * (CHUNK // L), unroll=8)
        def _vec(i):
            b = i // (CHUNK // L)
            j = i - b * (CHUNK // L)
            p = p_v[par, b, pl.ds(j * L, L)]
            labv = lab_v[b, pl.ds(j * L, L)]
            fg = labv == c
            bkt = jnp.minimum((p * nbf).astype(jnp.int32), nbm1)
            idx = jnp.where(fg, mirr - bkt, bkt)
            plsc.addupdate_scatter(hist_v, [idx], ones)

        pltpu.sync_copy(hist_v, out_hbm.at[wid, c])
        return carry
    lax.fori_loop(0, NUM_C, class_body, 0)


def _stage23_tc_body(hist_ref, out_ref):
    acc = jnp.sum(hist_ref[...], axis=0)
    n_fg = acc[:, NB:]
    n_tot = acc[:, :NB] + n_fg
    row_i = lax.broadcasted_iota(jnp.int32, (NB, NB), 0)
    col_i = lax.broadcasted_iota(jnp.int32, (NB, NB), 1)
    m_tri = (row_i >= col_i).astype(jnp.float32)
    s_suf = jnp.dot(n_fg, m_tri, preferred_element_type=jnp.float32)
    k_suf = jnp.dot(n_tot, m_tri, preferred_element_type=jnp.float32)
    gts = s_suf[:, :1]
    union = gts + k_suf - s_suf
    ratio = (gts - s_suf) / jnp.maximum(union, 1.0)
    j = jnp.where(union > 0, 1.0 - ratio, 0.0)
    loss_c = jnp.sum(j, axis=1) * (1.0 / NB) - 0.5 / NB
    pres = jnp.where(gts[:, 0] > 0, 1.0, 0.0)
    loss = jnp.sum(loss_c * pres) / jnp.maximum(jnp.sum(pres), 1.0)
    out_ref[...] = jnp.broadcast_to(loss, (1, 1))


def _build_calls():
    mesh = plsc.VectorSubcoreMesh(
        core_axis_name="c", subcore_axis_name="s",
        num_cores=NC, num_subcores=NS)

    params = pltpu.CompilerParams(needs_layout_passes=False)

    stage1 = functools.partial(
        pl.kernel, _stage1_body, mesh=mesh,
        compiler_params=params,
        out_type=jax.ShapeDtypeStruct((NW, NUM_C, NB2), jnp.float32),
        scratch_types=[
            pltpu.VMEM((NBATCH, CHUNK), jnp.int32),
            pltpu.VMEM((2, NBATCH, CHUNK), jnp.float32),
            pltpu.VMEM((NB2,), jnp.float32),
            pltpu.SemaphoreType.DMA,
        ],
    )()

    stage23 = pl.pallas_call(
        _stage23_tc_body,
        out_shape=jax.ShapeDtypeStruct((1, 1), jnp.float32),
    )
    return stage1, stage23


def kernel(probas, labels):
    b, c, h, w = probas.shape
    p3 = probas.reshape(b, c, h * w)
    lab2 = labels.reshape(b, h * w)
    stage1, stage23 = _build_calls()
    hist = stage1(p3, lab2)
    out = stage23(hist)
    return out[0, 0]

# --- scband reference (transcript-rebuilt; emitter-appended) ---
"""Pipeline reference for scband-lovasz-softmax-61435212202295 (READ-ONLY COPY).

The authoritative reference and input builder live on the scoring server;
editing this copy changes nothing except your own understanding.
"""

import jax, jax.numpy as jnp
import numpy as np

NUM_CLASSES = 21


def lovasz_grad(gt_sorted):
    gts = jnp.sum(gt_sorted)
    intersection = gts - jnp.cumsum(gt_sorted)
    union = gts + jnp.cumsum(1.0 - gt_sorted)
    jaccard = 1.0 - intersection / union
    jaccard = jnp.concatenate([jaccard[:1], jaccard[1:] - jaccard[:-1]])
    return jaccard


def setup_inputs(seed: int = 0) -> dict:
    key = jax.random.key(seed)
    k1, k2 = jax.random.split(key)
    logits = jax.random.normal(k1, (4, NUM_CLASSES, 512, 512), dtype=jnp.float32)
    probas = jax.nn.softmax(logits, axis=1)
    labels = jax.random.randint(k2, (4, 512, 512), 0, NUM_CLASSES, dtype=jnp.int32)
    return {"probas": probas, "labels": labels}


def reference(probas, labels):
    # prob_flatten: [B, C, H, W] -> [P, C], labels -> [P]
    B, C, H, W = probas.shape
    probas_flat = jnp.transpose(probas, (0, 2, 3, 1)).reshape(-1, C)
    labels_flat = labels.reshape(-1)
    # lovasz_softmax_flat with classes='present' and ignore=None:
    # compute per-class loss for every class, then average only over classes
    # present in the labels (fg.sum() > 0), matching torch.unique(labels) loop.
    losses = []
    present = []
    for c in range(C):
        fg = (labels_flat == c).astype(jnp.float32)
        probas_c = probas_flat[:, c]
        errors = jnp.abs(fg - probas_c)
        perm = jnp.argsort(-errors)  # descending sort
        errors_sorted = errors[perm]
        fg_sorted = fg[perm]
        losses.append(jnp.dot(errors_sorted, lovasz_grad(fg_sorted)))
        present.append(jnp.sum(fg) > 0)
    losses = jnp.stack(losses)
    present = jnp.stack(present).astype(jnp.float32)
    loss = jnp.sum(losses * present) / jnp.maximum(jnp.sum(present), 1.0)
    return loss

if __name__ == "__main__":
    import jax
    _d = setup_inputs()
    print(jax.jit(kernel)(*tuple(_d.values())))

</pallas_src>

<mosaic_0001>
#map = affine_map<(d0, d1) -> (0, 0, 0)>
#map1 = affine_map<(d0, d1) -> (0, 0)>
module attributes {stable_mosaic.version = 14 : i64} {
  func.func @_stage1_body(%arg0: i32, %arg1: i32, %arg2: memref<4x21x262144xf32, #tpu.memory_space<hbm>>, %arg3: memref<4x262144xi32, #tpu.memory_space<hbm>>, %arg4: memref<32x21x2048xf32, #tpu.memory_space<hbm>>, %arg5: memref<4x8192xi32, #tpu.memory_space<vmem>>, %arg6: memref<2x4x8192xf32, #tpu.memory_space<vmem>>, %arg7: memref<2048xf32, #tpu.memory_space<vmem>>, %arg8: memref<!tpu.dma_semaphore, #tpu.memory_space<semaphore_mem>>) attributes {dimension_semantics = [#tpu.dimension_semantics<core_parallel>, #tpu.dimension_semantics<subcore_parallel>], iteration_bounds = array<i64: 2, 16>, scalar_prefetch = 0 : i64, scratch_operands = 4 : i64, tpu.core_type = #tpu.core_type<sc_vector_subcore>, window_params = [{transform_indices = #map}, {transform_indices = #map1}, {transform_indices = #map}]} {
    %mul3A = arith.constant 2 : i32
    %mul3A_0 = arith.muli %arg1, %mul3A : i32
    %add3A = arith.addi %mul3A_0, %arg0 : i32
    %mul3A_1 = arith.constant 8192 : i32
    %mul3A_2 = arith.muli %add3A, %mul3A_1 : i32
    "tpu.region"() ({
      %run_scoped3A = tpu.sem_alloc : memref<!tpu.dma_semaphore, #tpu.memory_space<semaphore_mem>>
      %dma_start3A_31 = arith.constant 0 : i32
      %dma_start3A_32 = tpu.memref_slice %arg3[%dma_start3A_31, %mul3A_2] : memref<4x262144xi32, #tpu.memory_space<hbm>> -> memref<4x8192xi32, #tpu.memory_space<hbm>>
      %dma_start3A_33 = arith.constant 0 : i32
      %dma_start3A_34 = tpu.memref_slice %arg3[%dma_start3A_33, %mul3A_2] : memref<4x262144xi32, #tpu.memory_space<hbm>> -> memref<4x8192xi32, #tpu.memory_space<hbm>>
      tpu.enqueue_dma source(%dma_start3A_34 : memref<4x8192xi32, #tpu.memory_space<hbm>>) target(%arg5 : memref<4x8192xi32, #tpu.memory_space<vmem>>) target_semaphore(%run_scoped3A : memref<!tpu.dma_semaphore, #tpu.memory_space<semaphore_mem>>)
      %dma_wait3A = arith.constant 0 : i32
      %dma_wait3A_35 = tpu.memref_slice %arg3[%dma_wait3A, %mul3A_2] : memref<4x262144xi32, #tpu.memory_space<hbm>> -> memref<4x8192xi32, #tpu.memory_space<hbm>>
      %dma_wait3A_36 = arith.constant 0 : i32
      %dma_wait3A_37 = tpu.memref_slice %arg3[%dma_wait3A_36, %mul3A_2] : memref<4x262144xi32, #tpu.memory_space<hbm>> -> memref<4x8192xi32, #tpu.memory_space<hbm>>
      tpu.wait_dma2 semaphore(%run_scoped3A : memref<!tpu.dma_semaphore, #tpu.memory_space<semaphore_mem>>) src(%dma_wait3A_37 : memref<4x8192xi32, #tpu.memory_space<hbm>>) dst(%arg5 : memref<4x8192xi32, #tpu.memory_space<vmem>>)
      tpu.yield
    }) : () -> ()
    %broadcast_in_dim3A = arith.constant 1.000000e+00 : f32
    %broadcast_in_dim3A_3 = vector.broadcast %broadcast_in_dim3A : f32 to vector<16xf32>
    %broadcast_in_dim3A_4 = arith.constant 0.000000e+00 : f32
    %broadcast_in_dim3A_5 = vector.broadcast %broadcast_in_dim3A_4 : f32 to vector<16xf32>
    %broadcast_in_dim3A_6 = arith.constant 1023 : i32
    %broadcast_in_dim3A_7 = vector.broadcast %broadcast_in_dim3A_6 : i32 to vector<16xi32>
    %broadcast_in_dim3A_8 = arith.constant 2047 : i32
    %broadcast_in_dim3A_9 = vector.broadcast %broadcast_in_dim3A_8 : i32 to vector<16xi32>
    %dma_start3A = arith.constant 0 : i32
    %dma_start3A_10 = arith.constant 0 : i32
    %dma_start3A_11 = arith.constant 0 : i32
    %dma_start3A_12 = arith.constant 0 : i32
    %dma_start3A_13 = tpu.memref_slice %arg6[%dma_start3A_10, %dma_start3A_11, %dma_start3A_12] : memref<2x4x8192xf32, #tpu.memory_space<vmem>> -> memref<1x4x8192xf32, #tpu.memory_space<vmem>>
    %dma_start3A_14 = tpu.memref_squeeze %dma_start3A_13 : memref<1x4x8192xf32, #tpu.memory_space<vmem>> -> memref<4x8192xf32, #tpu.memory_space<vmem>>
    %dma_start3A_15 = arith.constant 0 : i32
    %dma_start3A_16 = tpu.memref_slice %arg2[%dma_start3A_15, %dma_start3A, %mul3A_2] : memref<4x21x262144xf32, #tpu.memory_space<hbm>> -> memref<4x1x8192xf32, #tpu.memory_space<hbm>>
    %dma_start3A_17 = tpu.memref_squeeze %dma_start3A_16 : memref<4x1x8192xf32, #tpu.memory_space<hbm>> -> memref<4x8192xf32, #tpu.memory_space<hbm>>
    %dma_start3A_18 = arith.constant 0 : i32
    %dma_start3A_19 = arith.constant 0 : i32
    %dma_start3A_20 = tpu.memref_slice %arg6[%dma_start3A_10, %dma_start3A_18, %dma_start3A_19] : memref<2x4x8192xf32, #tpu.memory_space<vmem>> -> memref<1x4x8192xf32, #tpu.memory_space<vmem>>
    %dma_start3A_21 = tpu.memref_squeeze %dma_start3A_20 : memref<1x4x8192xf32, #tpu.memory_space<vmem>> -> memref<4x8192xf32, #tpu.memory_space<vmem>>
    %dma_start3A_22 = arith.constant 0 : i32
    %dma_start3A_23 = tpu.memref_slice %arg2[%dma_start3A_22, %dma_start3A, %mul3A_2] : memref<4x21x262144xf32, #tpu.memory_space<hbm>> -> memref<4x1x8192xf32, #tpu.memory_space<hbm>>
    %dma_start3A_24 = tpu.memref_squeeze %dma_start3A_23 : memref<4x1x8192xf32, #tpu.memory_space<hbm>> -> memref<4x8192xf32, #tpu.memory_space<hbm>>
    tpu.enqueue_dma source(%dma_start3A_24 : memref<4x8192xf32, #tpu.memory_space<hbm>>) target(%dma_start3A_21 : memref<4x8192xf32, #tpu.memory_space<vmem>>) target_semaphore(%arg8 : memref<!tpu.dma_semaphore, #tpu.memory_space<semaphore_mem>>)
    %scan3A = arith.constant 0 : i32
    %scan3A_25 = arith.constant 1.024000e+03 : f32
    %scan3A_26 = arith.constant 0 : i32
    %scan3A_27 = arith.constant 21 : i32
    %scan3A_28 = arith.addi %scan3A_26, %scan3A_27 : i32
    %scan3A_29 = arith.constant 1 : i32
    scf.for %scan3A_31 = %scan3A_26 to %scan3A_28 step %scan3A_29  : i32 {
      %rem3A = arith.constant 2 : i32
      %rem3A_32 = arith.remsi %scan3A_31, %rem3A : i32
      %scan3A_33 = arith.constant 0 : i32
      %scan3A_34 = arith.constant 0 : i32
      %scan3A_35 = arith.constant 128 : i32
      %scan3A_36 = arith.addi %scan3A_34, %scan3A_35 : i32
      %scan3A_37 = arith.constant 1 : i32
      %scan3A_38 = scf.for %scan3A_60 = %scan3A_34 to %scan3A_36 step %scan3A_37 iter_args(%scan3A_61 = %scan3A_33) -> (i32)  : i32 {
        %mul3A_62 = arith.constant 16 : i32
        %mul3A_63 = arith.muli %scan3A_60, %mul3A_62 : i32
        %swap3A = arith.index_cast %mul3A_63 : i32 to index
        %swap3A_64 = tpu.vector_load %arg7[%swap3A] {strides = array<i32>} : memref<2048xf32, #tpu.memory_space<vmem>>, vector<16xf32>,
        tpu.vector_store %arg7[%swap3A], %broadcast_in_dim3A_5 {strides = array<i32>} : memref<2048xf32, #tpu.memory_space<vmem>>, vector<16xf32>,
        %scan3A_65 = arith.constant 0 : i32
        scf.yield %scan3A_65 : i32
      }
      %scan3A_39 = arith.constant 128 : i32
      %dma_wait3A = arith.constant 0 : i32
      %dma_wait3A_40 = arith.constant 0 : i32
      %dma_wait3A_41 = arith.constant 0 : i32
      %dma_wait3A_42 = tpu.memref_slice %arg6[%rem3A_32, %dma_wait3A_40, %dma_wait3A_41] : memref<2x4x8192xf32, #tpu.memory_space<vmem>> -> memref<1x4x8192xf32, #tpu.memory_space<vmem>>
      %dma_wait3A_43 = tpu.memref_squeeze %dma_wait3A_42 : memref<1x4x8192xf32, #tpu.memory_space<vmem>> -> memref<4x8192xf32, #tpu.memory_space<vmem>>
      %dma_wait3A_44 = arith.constant 0 : i32
      %dma_wait3A_45 = tpu.memref_slice %arg2[%dma_wait3A_44, %dma_wait3A, %mul3A_2] : memref<4x21x262144xf32, #tpu.memory_space<hbm>> -> memref<4x1x8192xf32, #tpu.memory_space<hbm>>
      %dma_wait3A_46 = tpu.memref_squeeze %dma_wait3A_45 : memref<4x1x8192xf32, #tpu.memory_space<hbm>> -> memref<4x8192xf32, #tpu.memory_space<hbm>>
      %dma_wait3A_47 = arith.constant 0 : i32
      %dma_wait3A_48 = arith.constant 0 : i32
      %dma_wait3A_49 = tpu.memref_slice %arg6[%rem3A_32, %dma_wait3A_47, %dma_wait3A_48] : memref<2x4x8192xf32, #tpu.memory_space<vmem>> -> memref<1x4x8192xf32, #tpu.memory_space<vmem>>
      %dma_wait3A_50 = tpu.memref_squeeze %dma_wait3A_49 : memref<1x4x8192xf32, #tpu.memory_space<vmem>> -> memref<4x8192xf32, #tpu.memory_space<vmem>>
      %dma_wait3A_51 = arith.constant 0 : i32
      %dma_wait3A_52 = tpu.memref_slice %arg2[%dma_wait3A_51, %dma_wait3A, %mul3A_2] : memref<4x21x262144xf32, #tpu.memory_space<hbm>> -> memref<4x1x8192xf32, #tpu.memory_space<hbm>>
      %dma_wait3A_53 = tpu.memref_squeeze %dma_wait3A_52 : memref<4x1x8192xf32, #tpu.memory_space<hbm>> -> memref<4x8192xf32, #tpu.memory_space<hbm>>
      tpu.wait_dma2 semaphore(%arg8 : memref<!tpu.dma_semaphore, #tpu.memory_space<semaphore_mem>>) src(%dma_wait3A_53 : memref<4x8192xf32, #tpu.memory_space<hbm>>) dst(%dma_wait3A_50 : memref<4x8192xf32, #tpu.memory_space<vmem>>)
      %add3A_54 = arith.constant 1 : i32
      %add3A_55 = arith.addi %scan3A_31, %add3A_54 : i32
      %lt3A = arith.constant 21 : i32
      %lt3A_56 = arith.cmpi slt, %add3A_55, %lt3A : i32
      %convert_element_type3A = arith.extui %lt3A_56 : i1 to i32
      %cond3A = arith.constant 0 : i32
      %cond3A_57 = arith.cmpi ne, %convert_element_type3A, %cond3A : i32
      scf.if %cond3A_57 {
        %add3A_60 = arith.constant 1 : i32
        %add3A_61 = arith.addi %scan3A_31, %add3A_60 : i32
        %sub3A = arith.constant 1 : i32
        %sub3A_62 = arith.subi %sub3A, %rem3A_32 : i32
        %dma_start3A_63 = arith.constant 0 : i32
        %dma_start3A_64 = arith.constant 0 : i32
        %dma_start3A_65 = tpu.memref_slice %arg6[%sub3A_62, %dma_start3A_63, %dma_start3A_64] : memref<2x4x8192xf32, #tpu.memory_space<vmem>> -> memref<1x4x8192xf32, #tpu.memory_space<vmem>>
        %dma_start3A_66 = tpu.memref_squeeze %dma_start3A_65 : memref<1x4x8192xf32, #tpu.memory_space<vmem>> -> memref<4x8192xf32, #tpu.memory_space<vmem>>
        %dma_start3A_67 = arith.constant 0 : i32
        %dma_start3A_68 = tpu.memref_slice %arg2[%dma_start3A_67, %add3A_61, %mul3A_2] : memref<4x21x262144xf32, #tpu.memory_space<hbm>> -> memref<4x1x8192xf32, #tpu.memory_space<hbm>>
        %dma_start3A_69 = tpu.memref_squeeze %dma_start3A_68 : memref<4x1x8192xf32, #tpu.memory_space<hbm>> -> memref<4x8192xf32, #tpu.memory_space<hbm>>
        %dma_start3A_70 = arith.constant 0 : i32
        %dma_start3A_71 = arith.constant 0 : i32
        %dma_start3A_72 = tpu.memref_slice %arg6[%sub3A_62, %dma_start3A_70, %dma_start3A_71] : memref<2x4x8192xf32, #tpu.memory_space<vmem>> -> memref<1x4x8192xf32, #tpu.memory_space<vmem>>
        %dma_start3A_73 = tpu.memref_squeeze %dma_start3A_72 : memref<1x4x8192xf32, #tpu.memory_space<vmem>> -> memref<4x8192xf32, #tpu.memory_space<vmem>>
        %dma_start3A_74 = arith.constant 0 : i32
        %dma_start3A_75 = tpu.memref_slice %arg2[%dma_start3A_74, %add3A_61, %mul3A_2] : memref<4x21x262144xf32, #tpu.memory_space<hbm>> -> memref<4x1x8192xf32, #tpu.memory_space<hbm>>
        %dma_start3A_76 = tpu.memref_squeeze %dma_start3A_75 : memref<4x1x8192xf32, #tpu.memory_space<hbm>> -> memref<4x8192xf32, #tpu.memory_space<hbm>>
        tpu.enqueue_dma source(%dma_start3A_76 : memref<4x8192xf32, #tpu.memory_space<hbm>>) target(%dma_start3A_73 : memref<4x8192xf32, #tpu.memory_space<vmem>>) target_semaphore(%arg8 : memref<!tpu.dma_semaphore, #tpu.memory_space<semaphore_mem>>)
      } else {
      }
      %parallel_loop3A = arith.constant 0 : i32
      %parallel_loop3A_58 = arith.constant 2048 : i32
      %parallel_loop3A_59 = arith.constant 1 : i32
      scf.for %parallel_loop3A_60 = %parallel_loop3A to %parallel_loop3A_58 step %parallel_loop3A_59  : i32 {
        %parallel_loop3A_61 = arith.constant 512 : i32
        %parallel_loop3A_62 = arith.divsi %parallel_loop3A_60, %parallel_loop3A_61 : i32
        %parallel_loop3A_63 = arith.constant 0 : i32
        %parallel_loop3A_64 = arith.cmpi sgt, %parallel_loop3A_60, %parallel_loop3A_63 : i32
        %parallel_loop3A_65 = arith.extui %parallel_loop3A_64 : i1 to i32
        %parallel_loop3A_66 = arith.constant 0 : i32
        %parallel_loop3A_67 = arith.cmpi slt, %parallel_loop3A_60, %parallel_loop3A_66 : i32
        %parallel_loop3A_68 = arith.extui %parallel_loop3A_67 : i1 to i32
        %parallel_loop3A_69 = arith.subi %parallel_loop3A_65, %parallel_loop3A_68 : i32
        %parallel_loop3A_70 = arith.constant 0 : i32
        %parallel_loop3A_71 = arith.cmpi sgt, %parallel_loop3A_61, %parallel_loop3A_70 : i32
        %parallel_loop3A_72 = arith.extui %parallel_loop3A_71 : i1 to i32
        %parallel_loop3A_73 = arith.constant 0 : i32
        %parallel_loop3A_74 = arith.cmpi slt, %parallel_loop3A_61, %parallel_loop3A_73 : i32
        %parallel_loop3A_75 = arith.extui %parallel_loop3A_74 : i1 to i32
        %parallel_loop3A_76 = arith.subi %parallel_loop3A_72, %parallel_loop3A_75 : i32
        %parallel_loop3A_77 = arith.cmpi ne, %parallel_loop3A_69, %parallel_loop3A_76 : i32
        %parallel_loop3A_78 = arith.remsi %parallel_loop3A_60, %parallel_loop3A_61 : i32
        %parallel_loop3A_79 = arith.constant 0 : i32
        %parallel_loop3A_80 = arith.cmpi ne, %parallel_loop3A_78, %parallel_loop3A_79 : i32
        %parallel_loop3A_81 = arith.andi %parallel_loop3A_77, %parallel_loop3A_80 : i1
        %parallel_loop3A_82 = arith.constant 1 : i32
        %parallel_loop3A_83 = arith.subi %parallel_loop3A_62, %parallel_loop3A_82 : i32
        %parallel_loop3A_84 = arith.select %parallel_loop3A_81, %parallel_loop3A_83, %parallel_loop3A_62 : i32
        %parallel_loop3A_85 = arith.constant 512 : i32
        %parallel_loop3A_86 = arith.muli %parallel_loop3A_84, %parallel_loop3A_85 : i32
        %parallel_loop3A_87 = arith.subi %parallel_loop3A_60, %parallel_loop3A_86 : i32
        %parallel_loop3A_88 = arith.constant 16 : i32
        %parallel_loop3A_89 = arith.muli %parallel_loop3A_87, %parallel_loop3A_88 : i32
        %parallel_loop3A_90 = arith.index_cast %rem3A_32 : i32 to index
        %parallel_loop3A_91 = arith.index_cast %parallel_loop3A_84 : i32 to index
        %parallel_loop3A_92 = arith.index_cast %parallel_loop3A_89 : i32 to index
        %parallel_loop3A_93 = tpu.vector_load %arg6[%parallel_loop3A_90, %parallel_loop3A_91, %parallel_loop3A_92] {strides = array<i32>} : memref<2x4x8192xf32, #tpu.memory_space<vmem>>, vector<16xf32>,
        %parallel_loop3A_94 = arith.constant 16 : i32
        %parallel_loop3A_95 = arith.muli %parallel_loop3A_87, %parallel_loop3A_94 : i32
        %parallel_loop3A_96 = arith.index_cast %parallel_loop3A_84 : i32 to index
        %parallel_loop3A_97 = arith.index_cast %parallel_loop3A_95 : i32 to index
        %parallel_loop3A_98 = tpu.vector_load %arg5[%parallel_loop3A_96, %parallel_loop3A_97] {strides = array<i32>} : memref<4x8192xi32, #tpu.memory_space<vmem>>, vector<16xi32>,
        %parallel_loop3A_99 = vector.broadcast %scan3A_31 : i32 to vector<16xi32>
        %parallel_loop3A_100 = arith.cmpi eq, %parallel_loop3A_98, %parallel_loop3A_99 : vector<16xi32>
        %parallel_loop3A_101 = vector.broadcast %scan3A_25 : f32 to vector<16xf32>
        %parallel_loop3A_102 = arith.mulf %parallel_loop3A_93, %parallel_loop3A_101 : vector<16xf32>
        %parallel_loop3A_103 = arith.fptosi %parallel_loop3A_102 : vector<16xf32> to vector<16xi32>
        %parallel_loop3A_104 = arith.minsi %parallel_loop3A_103, %broadcast_in_dim3A_7 : vector<16xi32>
        %parallel_loop3A_105 = arith.subi %broadcast_in_dim3A_9, %parallel_loop3A_104 : vector<16xi32>
        %parallel_loop3A_106 = arith.select %parallel_loop3A_100, %parallel_loop3A_105, %parallel_loop3A_104 : vector<16xi1>, vector<16xi32>
        tpu.vector_store_idx %arg7[%parallel_loop3A_106], %broadcast_in_dim3A_3 {add = true} : memref<2048xf32, #tpu.memory_space<vmem>>[vector<16xi32>], vector<16xf32>,
      } {sc.loop_unroll_factor = 8 : i64, sc.parallel_access}
      "tpu.region"() ({
        %run_scoped3A = tpu.sem_alloc : memref<!tpu.dma_semaphore, #tpu.memory_space<semaphore_mem>>
        %dma_start3A_60 = arith.constant 0 : i32
        %dma_start3A_61 = tpu.memref_slice %arg4[%add3A, %scan3A_31, %dma_start3A_60] : memref<32x21x2048xf32, #tpu.memory_space<hbm>> -> memref<1x1x2048xf32, #tpu.memory_space<hbm>>
        %dma_start3A_62 = tpu.memref_squeeze %dma_start3A_61 : memref<1x1x2048xf32, #tpu.memory_space<hbm>> -> memref<2048xf32, #tpu.memory_space<hbm>>
        %dma_start3A_63 = arith.constant 0 : i32
        %dma_start3A_64 = tpu.memref_slice %arg4[%add3A, %scan3A_31, %dma_start3A_63] : memref<32x21x2048xf32, #tpu.memory_space<hbm>> -> memref<1x1x2048xf32, #tpu.memory_space<hbm>>
        %dma_start3A_65 = tpu.memref_squeeze %dma_start3A_64 : memref<1x1x2048xf32, #tpu.memory_space<hbm>> -> memref<2048xf32, #tpu.memory_space<hbm>>
        tpu.enqueue_dma source(%arg7 : memref<2048xf32, #tpu.memory_space<vmem>>) target(%dma_start3A_65 : memref<2048xf32, #tpu.memory_space<hbm>>) target_semaphore(%run_scoped3A : memref<!tpu.dma_semaphore, #tpu.memory_space<semaphore_mem>>)
        %dma_wait3A_66 = arith.constant 0 : i32
        %dma_wait3A_67 = tpu.memref_slice %arg4[%add3A, %scan3A_31, %dma_wait3A_66] : memref<32x21x2048xf32, #tpu.memory_space<hbm>> -> memref<1x1x2048xf32, #tpu.memory_space<hbm>>
        %dma_wait3A_68 = tpu.memref_squeeze %dma_wait3A_67 : memref<1x1x2048xf32, #tpu.memory_space<hbm>> -> memref<2048xf32, #tpu.memory_space<hbm>>
        %dma_wait3A_69 = arith.constant 0 : i32
        %dma_wait3A_70 = tpu.memref_slice %arg4[%add3A, %scan3A_31, %dma_wait3A_69] : memref<32x21x2048xf32, #tpu.memory_space<hbm>> -> memref<1x1x2048xf32, #tpu.memory_space<hbm>>
        %dma_wait3A_71 = tpu.memref_squeeze %dma_wait3A_70 : memref<1x1x2048xf32, #tpu.memory_space<hbm>> -> memref<2048xf32, #tpu.memory_space<hbm>>
        tpu.wait_dma2 semaphore(%run_scoped3A : memref<!tpu.dma_semaphore, #tpu.memory_space<semaphore_mem>>) src(%arg7 : memref<2048xf32, #tpu.memory_space<vmem>>) dst(%dma_wait3A_71 : memref<2048xf32, #tpu.memory_space<hbm>>)
        tpu.yield
      }) : () -> ()
    }
    %scan3A_30 = arith.constant 21 : i32
    return
  }
}

module attributes {stable_mosaic.version = 14 : i64} {
  func.func @_stage23_tc_body(%arg0: memref<32x21x2048xf32, #tpu.memory_space<vmem>>, %arg1: memref<1x1xf32, #tpu.memory_space<vmem>>) attributes {dimension_semantics = [], scalar_prefetch = 0 : i64, scratch_operands = 0 : i64, tpu.core_type = #tpu.core_type<tc>} {
    %get3A = arith.constant 0 : index
    %get3A_0 = arith.constant 0 : index
    %get3A_1 = arith.constant 0 : index
    %get3A_2 = vector.load %arg0[%get3A, %get3A_0, %get3A_1] : memref<32x21x2048xf32, #tpu.memory_space<vmem>>, vector<32x21x2048xf32>
    %reduce_sum3A = arith.constant dense<0.000000e+00> : vector<21x2048xf32>
    %reduce_sum3A_3 = vector.multi_reduction <add>, %get3A_2, %reduce_sum3A [0] : vector<32x21x2048xf32> to vector<21x2048xf32>
    %slice3A = vector.extract_strided_slice %reduce_sum3A_3 {offsets = [0, 1024], sizes = [21, 1024], strides = [1, 1]} : vector<21x2048xf32> to vector<21x1024xf32>
    %slice3A_4 = vector.extract_strided_slice %reduce_sum3A_3 {offsets = [0, 0], sizes = [21, 1024], strides = [1, 1]} : vector<21x2048xf32> to vector<21x1024xf32>
    %add3A = arith.addf %slice3A_4, %slice3A : vector<21x1024xf32>
    %iota3A = tpu.iota {dimensions = array<i32: 0>} : vector<1024x1024xi32>
    %iota3A_5 = tpu.iota {dimensions = array<i32: 1>} : vector<1024x1024xi32>
    %ge3A = arith.cmpi sge, %iota3A, %iota3A_5 : vector<1024x1024xi32>
    %convert_element_type3A = arith.extui %ge3A : vector<1024x1024xi1> to vector<1024x1024xi32>
    %convert_element_type3A_6 = arith.sitofp %convert_element_type3A : vector<1024x1024xi32> to vector<1024x1024xf32>
    %dot_general3A = arith.constant dense<0.000000e+00> : vector<21x1024xf32>
    %dot_general3A_7 = tpu.matmul %slice3A, %convert_element_type3A_6, %dot_general3A {dimension_numbers = #tpu.dot_dimension_numbers<[1], [0], [0], [1], [0, 0, 1, 1], [], []>, transpose_lhs_hint = false} : vector<21x1024xf32>, vector<1024x1024xf32>, vector<21x1024xf32> -> vector<21x1024xf32>
    %dot_general3A_8 = arith.constant dense<0.000000e+00> : vector<21x1024xf32>
    %dot_general3A_9 = tpu.matmul %add3A, %convert_element_type3A_6, %dot_general3A_8 {dimension_numbers = #tpu.dot_dimension_numbers<[1], [0], [0], [1], [0, 0, 1, 1], [], []>, transpose_lhs_hint = false} : vector<21x1024xf32>, vector<1024x1024xf32>, vector<21x1024xf32> -> vector<21x1024xf32>
    %slice3A_10 = vector.extract_strided_slice %dot_general3A_7 {offsets = [0, 0], sizes = [21, 1], strides = [1, 1]} : vector<21x1024xf32> to vector<21x1xf32>
    %add3A_11 = vector.broadcast %slice3A_10 : vector<21x1xf32> to vector<21x1024xf32>
    %add3A_12 = arith.addf %add3A_11, %dot_general3A_9 : vector<21x1024xf32>
    %sub3A = arith.subf %add3A_12, %dot_general3A_7 : vector<21x1024xf32>
    %sub3A_13 = vector.broadcast %slice3A_10 : vector<21x1xf32> to vector<21x1024xf32>
    %sub3A_14 = arith.subf %sub3A_13, %dot_general3A_7 : vector<21x1024xf32>
    %max3A = arith.constant 1.000000e+00 : f32
    %max3A_15 = vector.broadcast %max3A : f32 to vector<21x1024xf32>
    %max3A_16 = arith.maximumf %sub3A, %max3A_15 : vector<21x1024xf32>
    %div3A = arith.divf %sub3A_14, %max3A_16 : vector<21x1024xf32>
    %gt3A = arith.constant 0.000000e+00 : f32
    %gt3A_17 = vector.broadcast %gt3A : f32 to vector<21x1024xf32>
    %gt3A_18 = arith.cmpf ogt, %sub3A, %gt3A_17 : vector<21x1024xf32>
    %sub3A_19 = arith.constant 1.000000e+00 : f32
    %sub3A_20 = vector.broadcast %sub3A_19 : f32 to vector<21x1024xf32>
    %sub3A_21 = arith.subf %sub3A_20, %div3A : vector<21x1024xf32>
    %jit3A = arith.constant 0.000000e+00 : f32
    %broadcast_in_dim3A = vector.broadcast %jit3A : f32 to vector<21x1024xf32>
    %select_n3A = arith.select %gt3A_18, %sub3A_21, %broadcast_in_dim3A : vector<21x1024xi1>, vector<21x1024xf32>
    %reduce_sum3A_22 = arith.constant dense<0.000000e+00> : vector<21xf32>
    %reduce_sum3A_23 = vector.multi_reduction <add>, %select_n3A, %reduce_sum3A_22 [1] : vector<21x1024xf32> to vector<21xf32>
    %mul3A = arith.constant 9.765625E-4 : f32
    %mul3A_24 = vector.broadcast %mul3A : f32 to vector<21xf32>
    %mul3A_25 = arith.mulf %reduce_sum3A_23, %mul3A_24 : vector<21xf32>
    %sub3A_26 = arith.constant 4.8828125E-4 : f32
    %sub3A_27 = vector.broadcast %sub3A_26 : f32 to vector<21xf32>
    %sub3A_28 = arith.subf %mul3A_25, %sub3A_27 : vector<21xf32>
    %squeeze3A = vector.shape_cast %slice3A_10 : vector<21x1xf32> to vector<21xf32>
    %gt3A_29 = arith.constant 0.000000e+00 : f32
    %gt3A_30 = vector.broadcast %gt3A_29 : f32 to vector<21xf32>
    %gt3A_31 = arith.cmpf ogt, %squeeze3A, %gt3A_30 : vector<21xf32>
    %jit3A_32 = arith.constant 1.000000e+00 : f32
    %jit3A_33 = arith.constant 0.000000e+00 : f32
    %broadcast_in_dim3A_34 = vector.broadcast %jit3A_32 : f32 to vector<21xf32>
    %broadcast_in_dim3A_35 = vector.broadcast %jit3A_33 : f32 to vector<21xf32>
    %select_n3A_36 = arith.select %gt3A_31, %broadcast_in_dim3A_34, %broadcast_in_dim3A_35 : vector<21xi1>, vector<21xf32>
    %mul3A_37 = arith.mulf %sub3A_28, %select_n3A_36 : vector<21xf32>
    %reduce_sum3A_38 = vector.shape_cast %mul3A_37 : vector<21xf32> to vector<1x21xf32>
    %reduce_sum3A_39 = arith.constant dense<0.000000e+00> : vector<1xf32>
    %reduce_sum3A_40 = vector.multi_reduction <add>, %reduce_sum3A_38, %reduce_sum3A_39 [1] : vector<1x21xf32> to vector<1xf32>
    %reduce_sum3A_41 = vector.shape_cast %reduce_sum3A_40 : vector<1xf32> to vector<1x1xf32>
    %reduce_sum3A_42 = vector.extract %reduce_sum3A_41[0, 0] : f32 from vector<1x1xf32>
    %reduce_sum3A_43 = vector.shape_cast %select_n3A_36 : vector<21xf32> to vector<1x21xf32>
    %reduce_sum3A_44 = arith.constant dense<0.000000e+00> : vector<1xf32>
    %reduce_sum3A_45 = vector.multi_reduction <add>, %reduce_sum3A_43, %reduce_sum3A_44 [1] : vector<1x21xf32> to vector<1xf32>
    %reduce_sum3A_46 = vector.shape_cast %reduce_sum3A_45 : vector<1xf32> to vector<1x1xf32>
    %reduce_sum3A_47 = vector.extract %reduce_sum3A_46[0, 0] : f32 from vector<1x1xf32>
    %max3A_48 = arith.constant 1.000000e+00 : f32
    %max3A_49 = arith.maximumf %reduce_sum3A_47, %max3A_48 : f32
    %div3A_50 = arith.divf %reduce_sum3A_42, %max3A_49 : f32
    %broadcast_in_dim3A_51 = vector.broadcast %div3A_50 : f32 to vector<1x1xf32>
    %swap3A = arith.constant 0 : index
    %swap3A_52 = arith.constant 0 : index
    %swap3A_53 = vector.load %arg1[%swap3A, %swap3A_52] : memref<1x1xf32, #tpu.memory_space<vmem>>, vector<1x1xf32>
    tpu.vector_store %arg1[%swap3A, %swap3A_52], %broadcast_in_dim3A_51 {strides = array<i32>} : memref<1x1xf32, #tpu.memory_space<vmem>>, vector<1x1xf32>,
    return
  }
}

</mosaic_0001>

<sc_bundles>
// kernel: kernel.4.cloned.1.call-start
scs
__scs_entry_jumppad:
0x0: {  	(pc) =	sbr.rel $0x88, $3  }
0x1: {  	(tag) =	ssettag $0x0;
	lr =	simm.s32 $0x1  }
0x2: {  	[smem:$0x3F9F] =	sst lr;
	_ =	strace $0xD0000000  }
0x3: {  	_ = 	snop  }
0x4: {  	_ = 	snop  }
0x5: {  	_ = 	snop  }
0x6: {  	_ = 	snop  }
0x7: {  	_ = 	snop  }
__scs_overlays_trampoline_lowered:
0x8: {  	[smem:$0x3FAE] =	sst s0  }
0x9: {  	[smem:$0x3FAF] =	sst s1  }
0xa: {  	[smem:$0x3FB0] =	sst s2  }
0xb: {  	[smem:$0x3FB1] =	sst s3  }
0xc: {  	[smem:$0x3FB2] =	sst s4  }
0xd: {  	[smem:$0x3FB3] =	sst s5  }
0xe: {  	[smem:$0x3FB4] =	sst s6  }
0xf: {  	[smem:$0x3FB5] =	sst s7  }
0x10: {  	[smem:$0x3FB6] =	sst s8  }
0x11: {  	[smem:$0x3FB7] =	sst s9;
	s0 =	simm.s32 @!p0 $0x0  }
0x12: {  	s1 =	sld [smem:$0x3F9D];
	s0 =	simm.s32 @p0 $0x1  }
0x13: {  	[smem:$0x3FB8] =	sst s0;
	s0 =	simm.s32 @!p1 $0x0  }
0x14: {  	s2 =	sld [smem:$0x3F9C];
	s0 =	simm.s32 @p1 $0x1  }
0x15: {  	[smem:$0x3FB9] =	sst s0;
	s0 =	simm.s32 @!p2 $0x0  }
0x16: {  	s3 =	sld [smem:$0x3FDB];
	s0 =	simm.s32 @p2 $0x1  }
0x17: {  	s4 =	simm.s32 $0x1BF5;
	[smem:$0x3FBB] =	sst s0  }
0x18: {  	s0 =	sld [smem:$0x3F9E];
	_ =	swait.ge [sflag:s4], $0x0  }
0x19: {  	s7 =	sld [smem:$0x3F9F]  }
0x1a: {  	s8 =	sadd.s32 $0xFFFFE003, lr  }
0x1b: {  	s9 =	sadd.s32 $0xFFFFFEF7, lr;
	s5 =	simm.s32 $0xFFFFFFFF;
	p2 =	slt.u32 s8, $0xFFFFF086  }
0x1c: {  	p1 =	slt.u32 s9, $0xF7A;
	s5 =	simm.s32 @!p2 $0x0  }
0x1d: {  	s5 =	simm.s32 @p1 $0x1;
	p0 =	seq.s32 s7, s2  }
0x1e: {  	s7 =	smul.u32 @!p0 $0xF7A, s2;
	p2 =	seq.s32 @!p0 s5, $0x0  }
0x1f: {  	s9 =	smul.u32 $0xF7A, s1;
	s8 =	simm.s32 @!p0 $0x1BF5;
	p2 =	por !p2, p0  }
0x20: {  	[sflag:s8] =	ssyncset.s32 @!p0 $0xFFFFF086;
	s6 =	sadd.s32 @!p0 s3, s7;
	s7 =	simm.s32 @!p0 $0x108  }
0x21: {  	s3 =	sadd.s32 s3, s9;
	s6 =	sadd.s32 @!p0 $0x88, s6;
	s7 =	simm.s32 @p2 $0x1082  }
0x22: {  	[simem:s7], [sflag:s8] =	dma.local @!p0 [hbm:s6], $0xF7A  }
0x23: {  	s9 =	sor.u32 $0xD0000000, s2;
	s6 =	simm.s32 $0x108;
	_ =	swait.ge @!p0 [sflag:s8], $0x0  }
0x24: {  	s3 =	sadd.s32 $0x88, s3;
	s6 =	simm.s32 @!p1 $0x1082;
	[sflag:s4] =	ssyncset.s32 $0xFFFFF086  }
0x25: {  	[simem:s6], [sflag:s4] =	dma.local [hbm:s3], $0xF7A  }
0x26: {  	[smem:$0x3F9F] =	sst s1;
	(tag) =	ssettag s2;
	_ =	strace s9  }
0x27: {  	s1 =	sld [smem:$0x3FAF]  }
0x28: {  	s2 =	sld [smem:$0x3FB0]  }
0x29: {  	s4 =	sld [smem:$0x3FB2]  }
0x2a: {  	p0 =	seq.s32 s5, $0x0;
	s5 =	sld [smem:$0x3FB3]  }
0x2b: {  	s6 =	sld [smem:$0x3FB4]  }
0x2c: {  	s7 =	sld [smem:$0x3FB5]  }
0x2d: {  	s3 =	simm.s32 $0x108;
	s8 =	sld [smem:$0x3FB6]  }
0x2e: {  	s3 =	simm.s32 @!p0 $0x1082;
	s9 =	sld [smem:$0x3FB7]  }
0x2f: {  	lr =	sadd.s32 s0, s3;
	s0 =	sld [smem:$0x3FAE]  }
0x30: {  	s3 =	sld [smem:$0x3FB1]  }
0x31: {  	[smem:$0x3FBA] =	sst s10  }
0x32: {  	s10 =	sld [smem:$0x3FB8];
	_ =	sdelay $0x3  }
0x33: {  	p0 =	seq.s32 s10, $0x1;
	s10 =	sld [smem:$0x3FBA];
	_ =	sdelay $0x3  }
0x34: {  	[smem:$0x3FBA] =	sst s10  }
0x35: {  	s10 =	sld [smem:$0x3FB9];
	_ =	sdelay $0x3  }
0x36: {  	p1 =	seq.s32 s10, $0x1;
	s10 =	sld [smem:$0x3FBA];
	_ =	sdelay $0x3  }
0x37: {  	[smem:$0x3FBA] =	sst s10  }
0x38: {  	s10 =	sld [smem:$0x3FBB]  }
0x39: {  	_ = 	snop;
	(pc) =	sbr.ind lr, $3  }
0x3a: {  	_ = 	snop  }
0x3b: {  	_ = 	snop  }
0x3c: {  	p2 =	seq.s32 s10, $0x1;
	s10 =	sld [smem:$0x3FBA]  }
0x3d: {  	_ =	shalt  }
0x3e: {  	_ =	shalt  }
0x3f: {  	_ =	shalt  }
0x40: {  	_ =	shalt  }
0x41: {  	_ =	shalt  }
0x42: {  	_ =	shalt  }
0x43: {  	_ =	shalt  }
0x44: {  	_ =	shalt  }
0x45: {  	_ =	shalt  }
0x46: {  	_ =	shalt  }
0x47: {  	_ =	shalt  }
0x48: {  	_ =	shalt  }
0x49: {  	_ =	shalt  }
0x4a: {  	_ =	shalt  }
0x4b: {  	_ =	shalt  }
0x4c: {  	_ =	shalt  }
0x4d: {  	_ =	shalt  }
0x4e: {  	_ =	shalt  }
0x4f: {  	_ =	shalt  }
0x50: {  	_ =	shalt  }
0x51: {  	_ =	shalt  }
0x52: {  	_ =	shalt  }
0x53: {  	_ =	shalt  }
0x54: {  	_ =	shalt  }
0x55: {  	_ =	shalt  }
0x56: {  	_ =	shalt  }
0x57: {  	_ =	shalt  }
0x58: {  	_ =	shalt  }
0x59: {  	_ =	shalt  }
0x5a: {  	_ =	shalt  }
0x5b: {  	_ =	shalt  }
0x5c: {  	_ =	shalt  }
0x5d: {  	_ =	shalt  }
0x5e: {  	_ =	shalt  }
0x5f: {  	_ =	shalt  }
0x60: {  	_ =	shalt  }
0x61: {  	_ =	shalt  }
0x62: {  	_ =	shalt  }
0x63: {  	_ =	shalt  }
0x64: {  	_ =	shalt  }
0x65: {  	_ =	shalt  }
0x66: {  	_ =	shalt  }
0x67: {  	_ =	shalt  }
0x68: {  	_ =	shalt  }
0x69: {  	_ =	shalt  }
0x6a: {  	_ =	shalt  }
0x6b: {  	_ =	shalt  }
0x6c: {  	_ =	shalt  }
0x6d: {  	_ =	shalt  }
0x6e: {  	_ =	shalt  }
0x6f: {  	_ =	shalt  }
0x70: {  	_ =	shalt  }
0x71: {  	_ =	shalt  }
0x72: {  	_ =	shalt  }
0x73: {  	_ =	shalt  }
0x74: {  	_ =	shalt  }
0x75: {  	_ =	shalt  }
0x76: {  	_ =	shalt  }
0x77: {  	_ =	shalt  }
0x78: {  	_ =	shalt  }
0x79: {  	_ =	shalt  }
0x7a: {  	_ =	shalt  }
0x7b: {  	_ =	shalt  }
0x7c: {  	_ =	shalt  }
0x7d: {  	_ =	shalt  }
0x7e: {  	_ =	shalt  }
0x7f: {  	_ =	shalt  }
0x80: {  	_ =	shalt  }
0x81: {  	_ =	shalt  }
0x82: {  	_ =	shalt  }
0x83: {  	_ =	shalt  }
0x84: {  	_ =	shalt  }
0x85: {  	_ =	shalt  }
0x86: {  	_ =	shalt  }
0x87: {  	_ =	shalt  }
.Lfunc_end0:
.L_simem_size_0:
called_computation_lowered:
.L_overlay_start_0:
0x88: {  	s2 =	sld [smem:$0x3FD9]  }
0x89: {  	s3 =	sld [smem:$0x3FFE];
	_ =	sdelay $0x1  }
0x8a: {  	s1 =	srdreg.scid  }
0x8b: {  	s0 =	sand.u32 $0x1, s1  }
0x8c: {  	s16 =	sshll.u32 s0, $0xA;
	s2 =	sadd.s32 s3, s2  }
0x8d: {  	s2 =	sadd.s32 s2, s16  }
0x8e: {  	[smem:$0x3FC6] =	sst s2  }
0x8f: {  	_ = 	snop  }
0x90: {  	(tm) =	ssettm $0x1  }
0x91: {  	s17 =	sld [smem:$0x3FFB];
	_ =	sdelay $0x3  }
0x92: {  	_ =	strace s17  }
0x93: {  	s2 =	sld [smem:$0x3FFC];
	_ =	sdelay $0x3  }
0x94: {  	_ =	strace s2  }
0x95: {  	s2 =	sld [smem:$0x3FFD];
	_ =	sdelay $0x3  }
0x96: {  	_ =	strace s2  }
0x97: {  	_ =	strace $0x8FFFFFFF  }
0x98: {  	s18 =	sld [smem:$0x3FDB];
	_ =	sdelay $0x1  }
0x99: {  	s19 =	simm.s32 $_scs_section_size  }
0x9a: {  	s4 =	simm.s32 $_size__tile_overlayer_lowered;
	s5 =	simm.s32 $_tile_overlayer_lowered  }
0x9b: {  	s22 =	simm.s32 $0x1BFF;
	s21 =	sshll.u32 s5, $0x1;
	s2 =	sadd.s32 s19, s18  }
0x9c: {  	s6 =	simm.s32 $0x0;
	s20 =	sshll.u32 s4, $0x1;
	s4 =	sadd.s32 s21, s2  }
0x9d: {  	[timem:s6], [sflag:s22] =	dma.local [hbm:s4], s20  }
0x9e: {  	_ =	swait.ge [sflag:s22], s20  }
0x9f: {  	s3 =	ssub.s32 $0x0, s20;
	[sflag:s22] =	ssyncset.done $0x0  }
0xa0: {  	[sflag:s22] =	ssyncadd.s32 s3;
	_ =	sdelay $0x1  }
0xa1: {  	s23 =	simm.s32 $0x1B8B  }
0xa2: {  	_ =	swait.ge [sflag:s23], $0x1  }
0xa3: {  	[sflag:s23] =	ssyncset.done $0x0  }
0xa4: {  	s25 =	simm.s32 $0x1B8E;
	s24 =	sld [smem:$0x3FFE];
	[sflag:s23] =	ssyncadd.s32 $0xFFFFFFFF  }
0xa5: {  	s26 =	simm.s32 $execute0_lowered;
	[smem:$0x3FD2] =	sst s25  }
0xa6: {  	s4 =	sshll.u32 s26, $0x1;
	_ =	strace $0x80000046;
	[dreg:$0x1] =	wrdreg $0xFFFFFFFF  }
0xa7: {  	s28 =	simm.s32 $_size_execute0_lowered;
	s2 =	sadd.s32 s2, s4;
	[dreg:$0x0] =	wrdreg $0x0  }
0xa8: {  	s4 =	sshll.u32 s28, $0x1;
	[dreg:$0x2] =	wrdreg s2  }
0xa9: {  	[dreg:$0x3] =	wrdreg s4  }
0xaa: {  	[dreg:$0x4] =	wrdreg $0xC0  }
0xab: {  	_ =	task [dreg:s6], $0x5FFFF  }
0xac: {  	[dreg:$0x1] =	wrdreg $0xFFFFFFFF  }
0xad: {  	[dreg:$0x0] =	wrdreg $0x60  }
0xae: {  	[dreg:$0x2] =	wrdreg s24  }
0xaf: {  	[dreg:$0x3] =	wrdreg $0x9  }
0xb0: {  	_ =	task.clear_ibuf [dreg:s6], $0x4FFFF;
	_ =	strace $0x90000046  }
0xb1: {  	s29 =	simm.s32 $0x9;
	_ =	strace $0x80000048  }
0xb2: {  	_ =	swait.ge [sflag:s29], $0x1  }
0xb3: {  	[sflag:s29] =	ssyncadd.s32 $0xFFFFFFFF  }
0xb4: {  	_ =	strace $0x90000048  }
0xb5: {  	_ =	sfence  }
0xb6: {  	s30 =	sld [smem:$0x0];
	_ =	sdelay $0x2  }
0xb7: {  	s31 =	sshll.u32 s1, $0xD;
	s1 =	sshrl.u32 s1, $0x2  }
0xb8: {  	s3 =	sand.u32 $0x4000, s31;
	s1 =	sadd.s32 s1, s30  }
0xb9: {  	s0 =	sor.u32 s3, s0;
	s1 =	sshll.u32 s1, $0x11  }
0xba: {  	s0 =	sor.u32 s1, s0  }
0xbb: {  	s0 =	sadd.s32 $0x8F2B, s0  }
0xbc: {  	[sflag:s0] =	ssyncadd.remote.s32 $0x1  }
0xbd: {  	_ =	sfence.sel $0xFFFF  }
0xbe: {  	[dreg:$0x0] =	wrdreg $0xFFFFFFFF;
	(pc) =	sbr.abs _section_cstart, $3  }
0xbf: {  	[dreg:$0x1] =	wrdreg $0xFFFFFFFF  }
0xc0: {  	_ =	task.clear_ibuf [dreg:s6], $0x2FFFF;
	_ =	strace $0x9FFFFFFF  }
0xc1: {  	(tm) =	ssettm $0x7FFFFFFF  }
tec
execute0_lowered:
.L_overlay_start_1:
0x0: {  	(tag) =	ssettag $0x1  }
0x1: {  	s3 =	rddreg [dreg:$0x0]  }
0x2: {  	s0 =	rddreg [dreg:$0x1]  }
0x3: {  	s4 =	srdreg.scid;
	s1 =	stileid.u32;
	s2 =	simm.s32 $0x0  }
0x4: {  	s9 =	simm.s32 $0x80;
	s10 =	simm.s32 $0x600000;
	s11 =	simm.s32 $0x1  }
0x5: {  	s12 =	simm.s32 $0x18000;
	s13 =	simm.s32 $0x400;
	s14 =	simm.s32 $0x0  }
0x6: {  	s4 =	sand.u32 $0x1, s4;
	s5 =	sshll.u32 s1, $0x1;
	[smem:$0x7FF] =	sst s2  }
0x7: {  	s6 =	sor.u32 s4, s5;
	_ =	strace $0x80000047;
	s4 =	ssub.s32 $0x2, s4  }
0x8: {  	s5 =	sshll.u32 s6, $0xD;
	s7 =	sshll.u32 s6, $0xC;
	s8 =	sshrl.u32 s4, $0x1  }
0x9: {  	s6 =	smul.u32 $0xC000, s6;
	s5 =	sadd.s32 s5, s3;
	s7 =	sadd.s32 s7, s3  }
0xa: {  	s3 =	sadd.s32 $0x320600, s3;
	s8 =	ssub.s32 s4, s8;
	s4 =	sadd.s32 $0x600, s7  }
0xb: {  	v0 =	vimm.f32 $0.0e+00;
	v1 =	vimm.f32 $1.000000000e+00;
	s5 =	sadd.s32 $0x20600, s5;
	s7 =	smax.u32 s8, $0x1;
	s8 =	simm.s32 $0x2  }
.LBB2_1:
0xc: {  	[tilespmem:s2], [sflag:$0x2] =	stream.linear.gather [hbm4b:s4+s2], $0x8000, $0x38;
	[tilespmem:$0x18800] =	vst v63  }
0xd: {  	_ =	swait.ge [sflag:s8], $0x8000  }
0xe: {  	[sflag:s8] =	ssyncset.done $0x0  }
0xf: {  	s15 =	simm.s32 $0x8000;
	s16 =	simm.s32 $0x0;
	[sflag:s8] =	ssyncadd.s32 $0xFFFF8000  }
.LBB2_2:
0x10: {  	p0 =	sne.s32 s16, $0x1F80  }
.Ltmp0:
0x11: {  	_ = 	snop;
	(pc) =	sbr.rel @p0 .LBB2_2-.Ltmp0, $4  }
0x12: {  	_ = 	snop  }
0x13: {  	s17 =	sadd.s32 s16, s5  }
0x14: {  	[tilespmem:s15], [sflag:$0x1] =	stream.strided.gather [hbm4b:s17+s9], $0x200, s10, s9, $0x38;
	[tilespmem:$0x18800] =	vst v63  }
0x15: {  	s16 =	sadd.s32 $0x80, s16;
	s15 =	sadd.s32 $0x200, s15  }
0x16: {  	s15 =	simm.s32 $0x0;
	p0 =	por $0x0, $0x0  }
.LBB2_4:
0x17: {  	s16 =	simm.s32 $0x1  }
0x18: {  	s16 =	simm.s32 @!p0 $0x0  }
0x19: {  	s16 =	sshll.u32 s16, $0x11  }
0x1a: {  	s17 =	sshrl.u32 s16, $0x2;
	s16 =	ssub.s32 $0x0, s16  }
0x1b: {  	s19 =	simm.s32 $0x0;
	s16 =	sshra.s32 s16, $0x2  }
0x1c: {  	s17 =	sadd.s32 $0x8000, s17;
	s18 =	sadd.s32 $0x10000, s16;
	s16 =	simm.s32 $0x40  }
.LBB2_5:
0x1d: {  	p1 =	sne.s32 s16, $0x1FC0;
	[tilespmem:s19+$0x18000] =	vst v0;
	s19 =	smov.u32 s16;
	s16 =	sadd.s32 $0x40, s16  }
.Ltmp1:
0x1e: {  	(pc) =	sbr.rel @p1 .LBB2_5-.Ltmp1, $2  }
0x1f: {  	_ =	sdelay $0x2  }
0x20: {  	s19 =	sshra.s32 s19, $0x2  }
0x21: {  	p1 =	seq.s32 s15, $0x14  }
.Ltmp2:
0x22: {  	_ = 	snop;
	(pc) =	sbr.rel @p1 .LBB2_10-.Ltmp2, $4  }
0x23: {  	[tilespmem:s19+$0x18000] =	vst v0  }
0x24: {  	_ =	swait.ge [sflag:s11], $0x8000  }
0x25: {  	[sflag:s11] =	ssyncset.done $0x0  }
0x26: {  	s16 =	sadd.s32 $0x1, s15;
	[sflag:s11] =	ssyncadd.s32 $0xFFFF8000  }
0x27: {  	s19 =	sshll.u32 s16, $0xF;
	s20 =	sshll.u32 s16, $0x4  }
0x28: {  	s19 =	sand.u32 $0x1C0000, s19;
	s20 =	sand.u32 $0x70, s20  }
0x29: {  	s19 =	sor.u32 s20, s19  }
0x2a: {  	s19 =	sadd.s32 s19, s5  }
0x2b: {  	s21 =	sadd.s32 $0x200, s18;
	s20 =	simm.s32 $0x80;
	s22 =	sadd.s32 $0x0, s19  }
.LBB2_8:
0x2c: {  	[tilespmem:s18], [sflag:$0x1] =	stream.strided.gather [hbm4b:s22+s9], $0x200, s10, s9, $0x38;
	[tilespmem:$0x18800] =	vst v63  }
0x2d: {  	s22 =	smov.u32 s20;
	s18 =	smov.u32 s21;
	p1 =	sne.s32 s20, $0x1F80  }
.Ltmp3:
0x2e: {  	s20 =	sadd.s32 $0x80, s20;
	(pc) =	sbr.rel @p1 .LBB2_8-.Ltmp3, $2  }
0x2f: {  	_ =	sdelay $0x2  }
0x30: {  	s21 =	sadd.s32 $0x200, s21;
	s22 =	sadd.s32 s22, s19  }
0x31: {  	[tilespmem:s18], [sflag:$0x1] =	stream.strided.gather [hbm4b:s22+s9], $0x200, s10, s9, $0x38;
	[tilespmem:$0x18800] =	vst v63  }
.LBB2_10:
0x32: {  	s18 =	simm.s32 $0x0  }
0x33: {  	s18 =	smul.u32 $0xFFFE0200, s18;
	_ =	sdelay $0x1  }
0x34: {  	s18 =	sshra.s32 s18, $0x2  }
0x35: {  	s19 =	sadd.s32 s18, s17  }
0x36: {  	v2 =	vld [tilespmem:s19+$0x70]  }
0x37: {  	v3 =	vld [tilespmem:s19+$0x0]  }
0x38: {  	v4 =	vld [tilespmem:s19+$0x10]  }
0x39: {  	v5 =	vld [tilespmem:s19+$0x20]  }
0x3a: {  	v6 =	vld [tilespmem:s19+$0x30]  }
0x3b: {  	v7 =	vld [tilespmem:s19+$0x40]  }
0x3c: {  	v8 =	vld [tilespmem:s19+$0x50]  }
0x3d: {  	v10 =	vld [tilespmem:s19+$0x60]  }
0x3e: {  	v2 =	vmul.f32 $1.024000000e+03, v2  }
0x3f: {  	v3 =	vmul.f32 $1.024000000e+03, v3;
	v4 =	vmul.f32 $1.024000000e+03, v4  }
0x40: {  	v5 =	vmul.f32 $1.024000000e+03, v5;
	v6 =	vmul.f32 $1.024000000e+03, v6  }
0x41: {  	v7 =	vmul.f32 $1.024000000e+03, v7;
	v8 =	vmul.f32 $1.024000000e+03, v8  }
0x42: {  	v10 =	vmul.f32 $1.024000000e+03, v10;
	v2 =	vtrunc.f32 v2  }
0x43: {  	v3 =	vtrunc.f32 v3;
	v4 =	vtrunc.f32 v4  }
0x44: {  	s18 =	sadd.s32 $0x0, s18;
	v5 =	vtrunc.f32 v5;
	v6 =	vtrunc.f32 v6  }
0x45: {  	v12 =	vld [tilespmem:s18+$0x0];
	v7 =	vtrunc.f32 v7;
	v8 =	vtrunc.f32 v8  }
0x46: {  	s30 =	simm.s32 $0x0;
	v9 =	vld [tilespmem:s18+$0x70];
	v10 =	vtrunc.f32 v10;
	v11 =	vcvt.f32.s32 v2  }
0x47: {  	s19 =	smul.u32 $0xFFFE0200, s30;
	v3 =	vcvt.f32.s32 v3;
	v4 =	vcvt.f32.s32 v4  }
0x48: {  	v13 =	vld [tilespmem:s18+$0x10];
	v2 =	vmov s15;
	v5 =	vcvt.f32.s32 v5;
	v6 =	vcvt.f32.s32 v6  }
0x49: {  	s17 =	sadd.s32 $0x200, s17;
	v14 =	vld [tilespmem:s18+$0x50];
	s31 =	sshra.s32 s19, $0x2;
	v7 =	vcvt.f32.s32 v7;
	v8 =	vcvt.f32.s32 v8;
	vm0 =	vlt.s32 v11, $0x3FF  }
0x4a: {  	v15 =	vld [tilespmem:s18+$0x60];
	s19 =	sadd.s32 s31, s17;
	v10 =	vcvt.f32.s32 v10;
	vm1 =	veq.s32 v12, v2;
	v11 =	vnsel vm0, $0x3FF, v11  }
0x4b: {  	v16 =	vld [tilespmem:s19+$0x70];
	vm2 =	vlt.s32 v3, $0x3FF;
	vm0 =	veq.s32 v9, v2;
	v9 =	vsub.s32 $0x7FF, v11  }
0x4c: {  	v19 =	vld [tilespmem:s19+$0x0];
	vm3 =	vlt.s32 v4, $0x3FF;
	vm4 =	vlt.s32 v5, $0x3FF;
	v9 =	vsel vm0, v9, v11  }
0x4d: {  	vm5 =	vlt.s32 v6, $0x3FF;
	vm6 =	vlt.s32 v8, $0x3FF;
	v3 =	vnsel vm2, $0x3FF, v3;
	v11 =	vld [tilespmem:s18+$0x20]  }
0x4e: {  	vm2 =	vlt.s32 v7, $0x3FF;
	v4 =	vnsel vm3, $0x3FF, v4;
	vm0 =	veq.s32 v13, v2;
	v13 =	vld [tilespmem:s18+$0x40]  }
0x4f: {  	v12 =	vld [tilespmem:s18+$0x30];
	v5 =	vnsel vm4, $0x3FF, v5;
	vm3 =	vlt.s32 v10, $0x3FF;
	v17 =	vsub.s32 $0x7FF, v4  }
0x50: {  	v6 =	vnsel vm5, $0x3FF, v6;
	v25 =	vsel vm0, v17, v4;
	vm0 =	veq.s32 v15, v2;
	v15 =	vld [tilespmem:s19+$0x50]  }
0x51: {  	v8 =	vnsel vm6, $0x3FF, v8;
	vm4 =	veq.s32 v14, v2;
	v14 =	vmul.f32 $1.024000000e+03, v19;
	[tilespmem:v9+s12+$0x0] =	vst.idx.add.f32.msk $0xffff, v1  }
0x52: {  	v10 =	vnsel vm3, $0x3FF, v10;
	v9 =	vnsel vm2, $0x3FF, v7;
	vm2 =	veq.s32 v11, v2;
	v11 =	vld [tilespmem:s19+$0x10]  }
0x53: {  	v18 =	vsub.s32 $0x7FF, v5;
	v7 =	vsub.s32 $0x7FF, v3;
	vm3 =	veq.s32 v13, v2;
	v13 =	vld [tilespmem:s19+$0x40]  }
0x54: {  	v20 =	vsub.s32 $0x7FF, v6;
	v22 =	vsub.s32 $0x7FF, v8;
	v24 =	vsel vm1, v7, v3;
	v3 =	vld [tilespmem:s19+$0x20]  }
0x55: {  	v23 =	vsub.s32 $0x7FF, v10;
	v4 =	vmul.f32 $1.024000000e+03, v16;
	vm1 =	veq.s32 v12, v2;
	v12 =	vld [tilespmem:s19+$0x30]  }
0x56: {  	s18 =	sadd.s32 $0x200, s31;
	v14 =	vtrunc.f32 v14;
	v21 =	vsub.s32 $0x7FF, v9;
	v7 =	vsel vm2, v18, v5;
	v18 =	vld [tilespmem:s19+$0x60]  }
0x57: {  	v16 =	vtrunc.f32 v4;
	v5 =	vsel vm3, v21, v9;
	v9 =	vmul.f32 $1.024000000e+03, v11;
	v11 =	vld [tilespmem:s18+$0x70]  }
0x58: {  	v14 =	vcvt.f32.s32 v14;
	v4 =	vsel vm4, v22, v8;
	v16 =	vcvt.f32.s32 v16  }
0x59: {  	v19 =	vld [tilespmem:s18+$0x0];
	v15 =	vmul.f32 $1.024000000e+03, v15;
	v6 =	vsel vm1, v20, v6;
	v13 =	vmul.f32 $1.024000000e+03, v13  }
0x5a: {  	v8 =	vld [tilespmem:s18+$0x20];
	v17 =	vmul.f32 $1.024000000e+03, v3;
	v3 =	vsel vm0, v23, v10;
	vm0 =	vlt.s32 v16, $0x3FF  }
0x5b: {  	[tilespmem:v25+s12+$0x0] =	vst.idx.add.f32.msk $0xffff, v1;
	v10 =	vmul.f32 $1.024000000e+03, v12;
	v18 =	vmul.f32 $1.024000000e+03, v18;
	v16 =	vnsel vm0, $0x3FF, v16  }
0x5c: {  	v12 =	vld [tilespmem:s18+$0x10];
	v20 =	vtrunc.f32 v9;
	vm0 =	veq.s32 v11, v2;
	v11 =	vsub.s32 $0x7FF, v16  }
0x5d: {  	[tilespmem:v24+s12+$0x0] =	vst.idx.add.f32.msk $0xffff, v1;
	v62 =	vtrunc.f32 v13;
	v17 =	vtrunc.f32 v17;
	v63 =	vsel vm0, v11, v16  }
0x5e: {  	vm3 =	vlt.s32 v14, $0x3FF;
	v9 =	vld [tilespmem:s18+$0x30];
	v61 =	vtrunc.f32 v10;
	v13 =	vcvt.f32.s32 v20  }
0x5f: {  	v10 =	vld [tilespmem:s18+$0x40];
	v20 =	vtrunc.f32 v18;
	vm0 =	veq.s32 v19, v2;
	v19 =	vtrunc.f32 v15  }
0x60: {  	vm2 =	vlt.s32 v13, $0x3FF;
	v11 =	vld [tilespmem:s18+$0x50];
	v16 =	vcvt.f32.s32 v17;
	v15 =	vcvt.f32.s32 v61  }
0x61: {  	vm1 =	veq.s32 v12, v2;
	v12 =	vld [tilespmem:s18+$0x60];
	v17 =	vcvt.f32.s32 v62;
	v18 =	vcvt.f32.s32 v19  }
0x62: {  	s20 =	simm.s32 $0x10;
	s19 =	simm.s32 $0x200;
	s18 =	simm.s32 $0x8;
	v19 =	vcvt.f32.s32 v20;
	vm5 =	vlt.s32 v16, $0x3FF;
	vm4 =	vlt.s32 v15, $0x3FF;
	[tilespmem:v63+s12+$0x0] =	vst.idx.add.f32.msk $0xffff, v1  }
.LBB2_11:
0x63: {  	s21 =	sshrl.u32 s20, $0x9;
	s18 =	sadd.s32 $0x8, s18;
	v14 =	vnsel vm3, $0x3FF, v14;
	vm3 =	vlt.s32 v17, $0x3FF;
	vm6 =	vlt.s32 v18, $0x3FF;
	[tilespmem:v7+s12+$0x0] =	vst.idx.add.f32.msk $0xffff, v1  }
0x64: {  	v7 =	vnsel vm2, $0x3FF, v13;
	v13 =	vnsel vm5, $0x3FF, v16;
	s21 =	smul.u32 $0xFFFE0200, s21;
	p1 =	slt.u32 s18, $0x7F8;
	vm2 =	vlt.s32 v19, $0x3FF;
	[tilespmem:v6+s12+$0x0] =	vst.idx.add.f32.msk $0xffff, v1  }
0x65: {  	v6 =	vnsel vm4, $0x3FF, v15;
	v15 =	vnsel vm3, $0x3FF, v17;
	v16 =	vnsel vm6, $0x3FF, v18;
	[tilespmem:v5+s12+$0x0] =	vst.idx.add.f32.msk $0xffff, v1  }
0x66: {  	s17 =	sadd.s32 $0x200, s17;
	v17 =	vsub.s32 $0x7FF, v7;
	v5 =	vsub.s32 $0x7FF, v14;
	v18 =	vnsel vm2, $0x3FF, v19;
	s21 =	sshra.s32 s21, $0x2;
	[tilespmem:v4+s12+$0x0] =	vst.idx.add.f32.msk $0xffff, v1  }
0x67: {  	v19 =	vsub.s32 $0x7FF, v6;
	v20 =	vsub.s32 $0x7FF, v15;
	v4 =	vsub.s32 $0x7FF, v13;
	s22 =	sadd.s32 s21, s17;
	[tilespmem:v3+s12+$0x0] =	vst.idx.add.f32.msk $0xffff, v1  }
0x68: {  	vm2 =	veq.s32 v8, v2;
	v8 =	vsub.s32 $0x7FF, v18;
	v3 =	vsub.s32 $0x7FF, v16;
	v21 =	vld [tilespmem:s22+$0x70]  }
0x69: {  	vm5 =	veq.s32 v11, v2;
	vm3 =	veq.s32 v9, v2;
	vm4 =	veq.s32 v10, v2;
	v22 =	vld [tilespmem:s22+$0x0]  }
0x6a: {  	v24 =	vsel vm1, v17, v7;
	v23 =	vsel vm0, v5, v14;
	vm0 =	veq.s32 v12, v2;
	v9 =	vld [tilespmem:s22+$0x10]  }
0x6b: {  	v6 =	vsel vm3, v19, v6;
	v5 =	vsel vm4, v20, v15;
	v7 =	vsel vm2, v4, v13;
	v10 =	vld [tilespmem:s22+$0x20]  }
0x6c: {  	v4 =	vsel vm5, v3, v16;
	v3 =	vsel vm0, v8, v18;
	v11 =	vld [tilespmem:s22+$0x30]  }
0x6d: {  	s19 =	sadd.s32 $0x200, s19;
	v8 =	vld [tilespmem:s22+$0x40];
	v12 =	vmul.f32 $1.024000000e+03, v21  }
0x6e: {  	s21 =	sadd.s32 s21, s19;
	v13 =	vmul.f32 $1.024000000e+03, v22;
	v14 =	vld [tilespmem:s22+$0x50]  }
0x6f: {  	v9 =	vmul.f32 $1.024000000e+03, v9;
	v15 =	vld [tilespmem:s21+$0x70];
	v12 =	vtrunc.f32 v12  }
0x70: {  	v10 =	vmul.f32 $1.024000000e+03, v10;
	v16 =	vld [tilespmem:s22+$0x60];
	v12 =	vcvt.f32.s32 v12  }
0x71: {  	v13 =	vtrunc.f32 v13;
	v17 =	vld [tilespmem:s21+$0x0];
	v11 =	vmul.f32 $1.024000000e+03, v11  }
0x72: {  	v19 =	vtrunc.f32 v9;
	v18 =	vld [tilespmem:s21+$0x10];
	v20 =	vmul.f32 $1.024000000e+03, v8;
	vm0 =	vlt.s32 v12, $0x3FF  }
0x73: {  	v21 =	vtrunc.f32 v10;
	v8 =	vld [tilespmem:s21+$0x20];
	v22 =	vmul.f32 $1.024000000e+03, v14;
	v12 =	vnsel vm0, $0x3FF, v12  }
0x74: {  	v25 =	vtrunc.f32 v11;
	v9 =	vld [tilespmem:s21+$0x30];
	vm0 =	veq.s32 v15, v2;
	v11 =	vsub.s32 $0x7FF, v12  }
0x75: {  	v20 =	vtrunc.f32 v20;
	v10 =	vld [tilespmem:s21+$0x40];
	v15 =	vmul.f32 $1.024000000e+03, v16;
	v26 =	vsel vm0, v11, v12  }
.Ltmp4:
0x76: {  	v14 =	vcvt.f32.s32 v13;
	v22 =	vtrunc.f32 v22;
	vm0 =	veq.s32 v17, v2;
	v11 =	vld [tilespmem:s21+$0x50];
	(pc) =	sbr.rel @p1 .LBB2_11-.Ltmp4, $4  }
0x77: {  	v13 =	vcvt.f32.s32 v19;
	vm1 =	veq.s32 v18, v2;
	v12 =	vld [tilespmem:s21+$0x60];
	v19 =	vtrunc.f32 v15  }
0x78: {  	vm3 =	vlt.s32 v14, $0x3FF;
	v16 =	vcvt.f32.s32 v21;
	v15 =	vcvt.f32.s32 v25;
	[tilespmem:v23+s12+$0x0] =	vst.idx.add.f32.msk $0xffff, v1  }
0x79: {  	vm2 =	vlt.s32 v13, $0x3FF;
	v17 =	vcvt.f32.s32 v20;
	v18 =	vcvt.f32.s32 v22;
	[tilespmem:v24+s12+$0x0] =	vst.idx.add.f32.msk $0xffff, v1  }
0x7a: {  	s20 =	sadd.s32 $0x8, s20;
	vm5 =	vlt.s32 v16, $0x3FF;
	v19 =	vcvt.f32.s32 v19;
	vm4 =	vlt.s32 v15, $0x3FF;
	[tilespmem:v26+s12+$0x0] =	vst.idx.add.f32.msk $0xffff, v1  }
0x7b: {  	v14 =	vnsel vm3, $0x3FF, v14  }
0x7c: {  	vm9 =	vlt.s32 v17, $0x3FF;
	vm6 =	vlt.s32 v18, $0x3FF;
	v13 =	vnsel vm2, $0x3FF, v13  }
0x7d: {  	v16 =	vnsel vm5, $0x3FF, v16;
	v15 =	vnsel vm4, $0x3FF, v15;
	vm11 =	veq.s32 v8, v2  }
0x7e: {  	vm12 =	veq.s32 v9, v2;
	vm13 =	veq.s32 v10, v2;
	v20 =	vsub.s32 $0x7FF, v14  }
0x7f: {  	[tilespmem:v7+s12+$0x0] =	vst.idx.add.f32.msk $0xffff, v1;
	vm14 =	veq.s32 v11, v2;
	v59 =	vsub.s32 $0x7FF, v13;
	v14 =	vsel vm0, v20, v14  }
0x80: {  	[tilespmem:v6+s12+$0x0] =	vst.idx.add.f32.msk $0xffff, v1;
	vm10 =	vlt.s32 v19, $0x3FF;
	v60 =	vsub.s32 $0x7FF, v16;
	v7 =	vsel vm1, v59, v13  }
0x81: {  	[tilespmem:v5+s12+$0x0] =	vst.idx.add.f32.msk $0xffff, v1;
	v17 =	vnsel vm9, $0x3FF, v17;
	v61 =	vsub.s32 $0x7FF, v15;
	v6 =	vsel vm11, v60, v16  }
0x82: {  	[tilespmem:v4+s12+$0x0] =	vst.idx.add.f32.msk $0xffff, v1;
	v18 =	vnsel vm6, $0x3FF, v18;
	v62 =	vsub.s32 $0x7FF, v17;
	v5 =	vsel vm12, v61, v15  }
0x83: {  	[tilespmem:v3+s12+$0x0] =	vst.idx.add.f32.msk $0xffff, v1;
	v19 =	vnsel vm10, $0x3FF, v19;
	v3 =	vsub.s32 $0x7FF, v18;
	v4 =	vsel vm13, v62, v17  }
0x84: {  	vm15 =	veq.s32 v12, v2;
	v63 =	vsub.s32 $0x7FF, v19;
	v2 =	vsel vm14, v3, v18;
	[tilespmem:v14+s12+$0x0] =	vst.idx.add.f32.msk $0xffff, v1  }
0x85: {  	s17 =	sshll.u32 s15, $0xB;
	v3 =	vsel vm15, v63, v19;
	[tilespmem:v7+s12+$0x0] =	vst.idx.add.f32.msk $0xffff, v1  }
0x86: {  	s31 =	sshll.u32 s15, $0x7;
	s17 =	sand.u32 $0xC000, s17;
	[tilespmem:v6+s12+$0x0] =	vst.idx.add.f32.msk $0xffff, v1  }
0x87: {  	s15 =	sand.u32 $0x380, s31;
	s17 =	sadd.s32 s6, s17;
	[tilespmem:v5+s12+$0x0] =	vst.idx.add.f32.msk $0xffff, v1  }
0x88: {  	s15 =	sor.u32 s15, s17;
	[tilespmem:v4+s12+$0x0] =	vst.idx.add.f32.msk $0xffff, v1  }
0x89: {  	p1 =	sne.s32 s16, $0x15;
	s15 =	sshrl.u32 s15, $0x3;
	[tilespmem:v2+s12+$0x0] =	vst.idx.add.f32.msk $0xffff, v1  }
.Ltmp5:
0x8a: {  	s15 =	sadd.s32 s3, s15;
	[tilespmem:v3+s12+$0x0] =	vst.idx.add.f32.msk $0xffff, v1;
	(pc) =	sbr.rel @p1 .LBB2_4-.Ltmp5, $4  }
0x8b: {  	[hbm4b:s15+s9] =	stream.strided.scatter [tilespmem:s12], [sflag:$0x2], $0x800, s13, s9, $0x38;
	[tilespmem:$0x18800] =	vst v63  }
0x8c: {  	_ =	swait.ge [sflag:s8], $0x800  }
0x8d: {  	[sflag:s8] =	ssyncset.done $0x0  }
0x8e: {  	p0 =	por !p0, !p0;
	s15 =	smov.u32 s16;
	[sflag:s8] =	ssyncadd.s32 $0xFFFFF800  }
0x8f: {  	s14 =	sadd.s32 $0x1, s14  }
0x90: {  	p0 =	sne.s32 s14, s7  }
.Ltmp6:
0x91: {  	_ = 	snop;
	(pc) =	sbr.rel @p0 .LBB2_1-.Ltmp6, $1  }
0x92: {  	_ =	sdelay $0x3  }
0x93: {  	_ =	sfence.sel $0x180000  }
0x94: {  	[bflag:$0x0] =	sbarrier.arrive $0xFFFF  }
0x95: {  	p0 =	sne.s32 s1, $0x0;
	_ =	strace $0x90000047  }
0x96: {  	s0 =	sadd.s32 @!p0 $0x100000, s0;
	[bflag:$0x2] =	sbarrier.arrive $0xFFFF  }
0x97: {  	[sflag:s0] =	ssyncadd.tile.s32 @!p0 $0x1;
	_ =	shalt  }
.Lfunc_end2:
_tile_overlayer_lowered:
.L_overlay_start_2:
0x98: {  	(tag) =	ssettag $0x2  }
0x99: {  	s0 =	rddreg [dreg:$0x0];
	s2 =	stileid.u32  }
0x9a: {  	s1 =	rddreg [dreg:$0x1];
	p0 =	sne.s32 s2, $0x0  }
0x9b: {  	s3 =	rddreg [dreg:$0x2];
	[bflag:$0x3] =	sbarrier.arrive $0xFFFF;
	s2 =	simm.s32 @!p0 $0x1C02  }
0x9c: {  	[timem:s3], [sflag:s2] =	dma.local @!p0 [hbm:s0], s1  }
0x9d: {  	s0 =	simm.s32 @!p0 $0x2  }
0x9e: {  	_ =	swait.ge @!p0 [sflag:s0], s1  }
0x9f: {  	s1 =	ssub.s32 @!p0 $0x0, s1;
	[sflag:s0] =	ssyncset.done @!p0 $0x0  }
0xa0: {  	[sflag:s0] =	ssyncadd.s32 @!p0 s1  }
0xa1: {  	[bflag:$0x3] =	sbarrier.arrive $0xFFFF  }
0xa2: {  	_ =	shalt  }

</sc_bundles>
